<compile_context>
chip_gen: v7x
topology: tpu7x:2x2x1
jax: 0.10.2.dev20260603
libtpu: 0.0.44.dev20260713+nightly
codegen_flags: <defaults>
</compile_context>

<pallas_src>
import functools

import jax
import jax.numpy as jnp
from jax import lax
from jax.experimental import pallas as pl
from jax.experimental.pallas import tpu as pltpu, tpu_sc as plsc

N_NODES = 10000
N_EDGES = 320000
D = 128

NC = 2
NS = 16
NW = NC * NS

BLK = 128

NT = 10112
RPT = NT // NS
PAD_ROW = N_NODES

_MESH = plsc.VectorSubcoreMesh(core_axis_name="c", subcore_axis_name="s")



def _deg_body(dstb_hbm, zeros_hbm, ones_hbm, degp_hbm,
              dst_v, ones_v, acc_sp, sem):
    c = lax.axis_index("c")
    s = lax.axis_index("s")
    pltpu.sync_copy(zeros_hbm, acc_sp.at[pl.ds(s * RPT, RPT)])
    pltpu.sync_copy(ones_hbm, ones_v)
    pltpu.sync_copy(dstb_hbm.at[c * NS + s], dst_v)
    plsc.subcore_barrier()

    def blk(j, carry):
        pltpu.async_copy(ones_v, acc_sp.at[dst_v.at[j]], sem, add=True)
        return carry

    lax.fori_loop(0, GBPT, blk, 0)

    def drain(j, carry):
        pltpu.make_async_copy(ones_v, acc_sp.at[dst_v.at[j]], sem).wait()
        return carry

    lax.fori_loop(0, GBPT, drain, 0)
    plsc.subcore_barrier()
    pltpu.sync_copy(acc_sp.at[pl.ds(s * RPT, RPT)],
                    degp_hbm.at[pl.ds(c * NT + s * RPT, RPT)])


def _deg_call(dstb, zeros_rtd, ones_bd):
    k = pl.kernel(
        _deg_body,
        out_type=jax.ShapeDtypeStruct((NC * NT, D), jnp.float32),
        mesh=_MESH,
        scratch_types=[
            pltpu.VMEM((GBPT, GBLK), jnp.int32),
            pltpu.VMEM((GBLK, D), jnp.float32),
            pltpu.VMEM_SHARED((NT, D), jnp.float32),
            pltpu.SemaphoreType.DMA,
        ],
    )
    return k(dstb, zeros_rtd, ones_bd)



GBLK = 128
GBPT = 80
EPG = NW * GBPT * GBLK
HBPT = 16
NCH = GBPT // HBPT
NBUF = 2


HCH = 16
NBUF = 2
B0 = 160
B1 = 2 * GBPT - B0
NCH0 = B0 // HCH
NCH1 = B1 // HCH
NBLKF = NW * GBPT


def _agg_body(g_hbm, srcb_hbm, dstb_hbm, zeros_hbm, accp_hbm,
              src_v, dst_v, gbufs, acc_sp, gsem, ssem):
    c = lax.axis_index("c")
    s = lax.axis_index("s")
    pltpu.sync_copy(zeros_hbm, acc_sp.at[pl.ds(s * RPT, RPT)])
    base = jnp.where(c == 0, s * B0, NS * B0 + s * B1)
    nch = jnp.where(c == 0, NCH0, NCH1)
    plsc.subcore_barrier()

    def start_gather(jj, b):
        pltpu.async_copy(g_hbm.at[src_v.at[jj]], gbufs.at[b], gsem.at[b])

    def wait_gather(jj, b):
        pltpu.make_async_copy(g_hbm.at[src_v.at[jj]], gbufs.at[b],
                              gsem.at[b]).wait()

    def start_scatter(jj, b):
        pltpu.async_copy(gbufs.at[b], acc_sp.at[dst_v.at[jj]], ssem.at[b],
                         add=True)

    def wait_scatter(jj, b):
        pltpu.make_async_copy(gbufs.at[b], acc_sp.at[dst_v.at[jj]],
                              ssem.at[b]).wait()

    for h in range(NCH1):

        @pl.when(h < nch)
        def _():
            pltpu.sync_copy(srcb_hbm.at[pl.ds(base + h * HCH, HCH)], src_v)
            pltpu.sync_copy(dstb_hbm.at[pl.ds(base + h * HCH, HCH)], dst_v)
            start_gather(0, 0)

            def visit(jj, carry):
                b = lax.rem(jj, 2)
                bo = 1 - b
                wait_gather(jj, b)
                start_scatter(jj, b)

                @pl.when(jj == 0)
                def _():
                    start_gather(1, 1)

                @pl.when(jnp.logical_and(jj >= 1, jj + 1 < HCH))
                def _():
                    wait_scatter(jj - 1, bo)
                    start_gather(jj + 1, bo)

                return carry

            lax.fori_loop(0, HCH, visit, 0)
            wait_scatter(HCH - 2, 0)
            wait_scatter(HCH - 1, 1)

    plsc.subcore_barrier()
    pltpu.sync_copy(acc_sp.at[pl.ds(s * RPT, RPT)],
                    accp_hbm.at[pl.ds(c * NT + s * RPT, RPT)])


def _agg_call(g_pad, srcb, dstb, zeros_rtd):
    k = pl.kernel(
        _agg_body,
        out_type=jax.ShapeDtypeStruct((NC * NT, D), jnp.float32),
        mesh=_MESH,
        scratch_types=[
            pltpu.VMEM((HCH, GBLK), jnp.int32),
            pltpu.VMEM((HCH, GBLK), jnp.int32),
            pltpu.VMEM((NBUF, GBLK, D), jnp.float32),
            pltpu.VMEM_SHARED((NT, D), jnp.float32),
            pltpu.SemaphoreType.DMA((NBUF,)),
            pltpu.SemaphoreType.DMA((NBUF,)),
        ],
    )
    return k(g_pad, srcb, dstb, zeros_rtd)



_RB = 400
_NRB = N_NODES // _RB


def _gw_body(x_ref, w_ref, deg_ref, g_ref):
    deg = deg_ref[0, :, 0] + deg_ref[1, :, 0] + 1.0
    dis = lax.rsqrt(deg)
    h = jnp.dot(x_ref[...], w_ref[...], preferred_element_type=jnp.float32)
    g_ref[...] = h * dis[:, None]


def _gw_call(x, W, degp2):
    return pl.pallas_call(
        _gw_body,
        grid=(_NRB,),
        in_specs=[
            pl.BlockSpec((_RB, D), lambda i: (i, 0)),
            pl.BlockSpec((D, D), lambda i: (0, 0)),
            pl.BlockSpec((2, _RB, 16), lambda i: (0, i, 0)),
        ],
        out_specs=pl.BlockSpec((_RB, D), lambda i: (i, 0)),
        out_shape=jax.ShapeDtypeStruct((N_NODES, D), jnp.float32),
    )(x, W, degp2)


def _fin_body(a0_ref, a1_ref, g_ref, deg_ref, b_ref, out_ref):
    deg = deg_ref[0, :, 0] + deg_ref[1, :, 0] + 1.0
    dis = lax.rsqrt(deg)
    acc = a0_ref[...] + a1_ref[...] + g_ref[...]
    out_ref[...] = acc * dis[:, None] + b_ref[...]


def _fin_call(a0, a1, g, degp2, b2):
    return pl.pallas_call(
        _fin_body,
        grid=(_NRB,),
        in_specs=[
            pl.BlockSpec((_RB, D), lambda i: (i, 0)),
            pl.BlockSpec((_RB, D), lambda i: (i, 0)),
            pl.BlockSpec((_RB, D), lambda i: (i, 0)),
            pl.BlockSpec((2, _RB, 16), lambda i: (0, i, 0)),
            pl.BlockSpec((1, D), lambda i: (0, 0)),
        ],
        out_specs=pl.BlockSpec((_RB, D), lambda i: (i, 0)),
        out_shape=jax.ShapeDtypeStruct((N_NODES, D), jnp.float32),
    )(a0, a1, g, degp2, b2)



def kernel(x, adj, W, b):
    src = adj[0]
    dst = adj[1]
    padg = jnp.full((EPG - N_EDGES,), PAD_ROW, dtype=jnp.int32)
    srcb = jnp.concatenate([src, padg]).reshape(NW, GBPT, GBLK)
    dstb = jnp.concatenate([dst, padg]).reshape(NW, GBPT, GBLK)

    zeros_rtd = jnp.zeros((RPT, D), jnp.float32)
    ones_bd = jnp.ones((GBLK, D), jnp.float32)

    degp = _deg_call(dstb, zeros_rtd, ones_bd)
    degp2 = jnp.stack([degp[:N_NODES, :16],
                       degp[NT:NT + N_NODES, :16]])

    g = _gw_call(x, W, degp2)
    g_pad = jnp.concatenate([g, jnp.zeros((NT - N_NODES, D), jnp.float32)])
    g2 = jnp.concatenate([g_pad, g_pad])
    srcf = srcb.reshape(NBLKF, GBLK).at[NS * B0:].add(NT)
    dstf = dstb.reshape(NBLKF, GBLK)

    accp = _agg_call(g2, srcf, dstf, zeros_rtd)
    a0 = accp[:N_NODES]
    a1 = accp[NT:NT + N_NODES]

    b2 = b.reshape(1, D)
    return _fin_call(a0, a1, g, degp2, b2)

# --- scband reference (transcript-rebuilt; emitter-appended) ---
"""Pipeline reference for scband-gcnlayer-6906307412209 (READ-ONLY COPY).

The authoritative reference and input builder live on the scoring server;
editing this copy changes nothing except your own understanding.
"""

import jax, jax.numpy as jnp
import numpy as np

N = 10000
E = 320000
D_IN = 128
D_OUT = 128


def setup_inputs(seed: int = 0) -> dict:
    key = jax.random.key(seed)
    k1, k2, k3, k4 = jax.random.split(key, 4)
    x = jax.random.normal(k1, (N, D_IN), dtype=jnp.float32)
    adj = jax.random.randint(k2, (2, E), 0, N, dtype=jnp.int32)
    # Glorot-uniform weight like GCNConv's default init
    limit = float(np.sqrt(6.0 / (D_IN + D_OUT)))
    W = jax.random.uniform(k3, (D_IN, D_OUT), dtype=jnp.float32, minval=-limit, maxval=limit)
    b = jnp.zeros((D_OUT,), dtype=jnp.float32)
    return {"x": x, "adj": adj, "W": W, "b": b}


def reference(x, adj, W, b):
    # Faithful GCNConv (Kipf & Welling): add self-loops, symmetric D^{-1/2} A_hat D^{-1/2} normalization,
    # linear transform, scatter-add aggregation, bias.
    src = adj[0]
    dst = adj[1]
    loop = jnp.arange(N, dtype=src.dtype)
    src = jnp.concatenate([src, loop])
    dst = jnp.concatenate([dst, loop])
    edge_weight = jnp.ones((E + N,), dtype=x.dtype)
    # degree over destination nodes (includes self-loops)
    deg = jax.ops.segment_sum(edge_weight, dst, num_segments=N)
    deg_inv_sqrt = jnp.where(deg > 0, jax.lax.rsqrt(deg), 0.0)
    norm = deg_inv_sqrt[src] * edge_weight * deg_inv_sqrt[dst]
    # linear transform first (out_features == in_features here)
    h = x @ W
    # message = norm * h[src]; aggregate by scatter-add into dst
    msg = h[src] * norm[:, None]
    out = jax.ops.segment_sum(msg, dst, num_segments=N)
    out = out + b
    return out

if __name__ == "__main__":
    import jax
    _d = setup_inputs()
    print(jax.jit(kernel)(*tuple(_d.values())))

</pallas_src>

<mosaic_0001>
#map = affine_map<(d0, d1) -> (0, 0, 0)>
#map1 = affine_map<(d0, d1) -> (0, 0)>
module attributes {stable_mosaic.version = 14 : i64} {
  func.func @_deg_body(%arg0: i32, %arg1: i32, %arg2: memref<32x80x128xi32, #tpu.memory_space<hbm>>, %arg3: memref<632x128xf32, #tpu.memory_space<hbm>>, %arg4: memref<128x128xf32, #tpu.memory_space<hbm>>, %arg5: memref<20224x128xf32, #tpu.memory_space<hbm>>, %arg6: memref<80x128xi32, #tpu.memory_space<vmem>>, %arg7: memref<128x128xf32, #tpu.memory_space<vmem>>, %arg8: memref<10112x128xf32, #tpu.memory_space<vmem_shared>>, %arg9: memref<!tpu.dma_semaphore, #tpu.memory_space<semaphore_mem>>) attributes {dimension_semantics = [#tpu.dimension_semantics<core_parallel>, #tpu.dimension_semantics<subcore_parallel>], iteration_bounds = array<i64: 2, 16>, scalar_prefetch = 0 : i64, scratch_operands = 4 : i64, tpu.core_type = #tpu.core_type<sc_vector_subcore>, window_params = [{transform_indices = #map}, {transform_indices = #map1}, {transform_indices = #map1}, {transform_indices = #map1}]} {
    %mul3A = arith.constant 632 : i32
    %mul3A_0 = arith.muli %arg1, %mul3A : i32
    "tpu.region"() ({
      %run_scoped3A = tpu.sem_alloc : memref<!tpu.dma_semaphore, #tpu.memory_space<semaphore_mem>>
      %dma_start3A = arith.constant 0 : i32
      %dma_start3A_22 = tpu.memref_slice %arg8[%mul3A_0, %dma_start3A] : memref<10112x128xf32, #tpu.memory_space<vmem_shared>> -> memref<632x128xf32, #tpu.memory_space<vmem_shared>>
      tpu.enqueue_dma source(%arg3 : memref<632x128xf32, #tpu.memory_space<hbm>>) target(%dma_start3A_22 : memref<632x128xf32, #tpu.memory_space<vmem_shared>>) target_semaphore(%run_scoped3A : memref<!tpu.dma_semaphore, #tpu.memory_space<semaphore_mem>>)
      %dma_wait3A = arith.constant 0 : i32
      %dma_wait3A_23 = tpu.memref_slice %arg8[%mul3A_0, %dma_wait3A] : memref<10112x128xf32, #tpu.memory_space<vmem_shared>> -> memref<632x128xf32, #tpu.memory_space<vmem_shared>>
      tpu.wait_dma2 semaphore(%run_scoped3A : memref<!tpu.dma_semaphore, #tpu.memory_space<semaphore_mem>>) src(%arg3 : memref<632x128xf32, #tpu.memory_space<hbm>>) dst(%dma_wait3A_23 : memref<632x128xf32, #tpu.memory_space<vmem_shared>>)
      tpu.yield
    }) : () -> ()
    "tpu.region"() ({
      %run_scoped3A = tpu.sem_alloc : memref<!tpu.dma_semaphore, #tpu.memory_space<semaphore_mem>>
      tpu.enqueue_dma source(%arg4 : memref<128x128xf32, #tpu.memory_space<hbm>>) target(%arg7 : memref<128x128xf32, #tpu.memory_space<vmem>>) target_semaphore(%run_scoped3A : memref<!tpu.dma_semaphore, #tpu.memory_space<semaphore_mem>>)
      tpu.wait_dma2 semaphore(%run_scoped3A : memref<!tpu.dma_semaphore, #tpu.memory_space<semaphore_mem>>) src(%arg4 : memref<128x128xf32, #tpu.memory_space<hbm>>) dst(%arg7 : memref<128x128xf32, #tpu.memory_space<vmem>>)
      tpu.yield
    }) : () -> ()
    %mul3A_1 = arith.constant 16 : i32
    %mul3A_2 = arith.muli %arg0, %mul3A_1 : i32
    %add3A = arith.addi %mul3A_2, %arg1 : i32
    "tpu.region"() ({
      %run_scoped3A = tpu.sem_alloc : memref<!tpu.dma_semaphore, #tpu.memory_space<semaphore_mem>>
      %dma_start3A = arith.constant 0 : i32
      %dma_start3A_22 = arith.constant 0 : i32
      %dma_start3A_23 = tpu.memref_slice %arg2[%add3A, %dma_start3A, %dma_start3A_22] : memref<32x80x128xi32, #tpu.memory_space<hbm>> -> memref<1x80x128xi32, #tpu.memory_space<hbm>>
      %dma_start3A_24 = tpu.memref_squeeze %dma_start3A_23 : memref<1x80x128xi32, #tpu.memory_space<hbm>> -> memref<80x128xi32, #tpu.memory_space<hbm>>
      %dma_start3A_25 = arith.constant 0 : i32
      %dma_start3A_26 = arith.constant 0 : i32
      %dma_start3A_27 = tpu.memref_slice %arg2[%add3A, %dma_start3A_25, %dma_start3A_26] : memref<32x80x128xi32, #tpu.memory_space<hbm>> -> memref<1x80x128xi32, #tpu.memory_space<hbm>>
      %dma_start3A_28 = tpu.memref_squeeze %dma_start3A_27 : memref<1x80x128xi32, #tpu.memory_space<hbm>> -> memref<80x128xi32, #tpu.memory_space<hbm>>
      tpu.enqueue_dma source(%dma_start3A_28 : memref<80x128xi32, #tpu.memory_space<hbm>>) target(%arg6 : memref<80x128xi32, #tpu.memory_space<vmem>>) target_semaphore(%run_scoped3A : memref<!tpu.dma_semaphore, #tpu.memory_space<semaphore_mem>>)
      %dma_wait3A = arith.constant 0 : i32
      %dma_wait3A_29 = arith.constant 0 : i32
      %dma_wait3A_30 = tpu.memref_slice %arg2[%add3A, %dma_wait3A, %dma_wait3A_29] : memref<32x80x128xi32, #tpu.memory_space<hbm>> -> memref<1x80x128xi32, #tpu.memory_space<hbm>>
      %dma_wait3A_31 = tpu.memref_squeeze %dma_wait3A_30 : memref<1x80x128xi32, #tpu.memory_space<hbm>> -> memref<80x128xi32, #tpu.memory_space<hbm>>
      %dma_wait3A_32 = arith.constant 0 : i32
      %dma_wait3A_33 = arith.constant 0 : i32
      %dma_wait3A_34 = tpu.memref_slice %arg2[%add3A, %dma_wait3A_32, %dma_wait3A_33] : memref<32x80x128xi32, #tpu.memory_space<hbm>> -> memref<1x80x128xi32, #tpu.memory_space<hbm>>
      %dma_wait3A_35 = tpu.memref_squeeze %dma_wait3A_34 : memref<1x80x128xi32, #tpu.memory_space<hbm>> -> memref<80x128xi32, #tpu.memory_space<hbm>>
      tpu.wait_dma2 semaphore(%run_scoped3A : memref<!tpu.dma_semaphore, #tpu.memory_space<semaphore_mem>>) src(%dma_wait3A_35 : memref<80x128xi32, #tpu.memory_space<hbm>>) dst(%arg6 : memref<80x128xi32, #tpu.memory_space<vmem>>)
      tpu.yield
    }) : () -> ()
    %barrier3A = arith.constant 0 : index
    tpu.barrier barrier_id(%barrier3A)
    %scan3A = arith.constant 0 : i32
    %scan3A_3 = arith.constant 0 : i32
    %scan3A_4 = arith.constant 80 : i32
    %scan3A_5 = arith.addi %scan3A_3, %scan3A_4 : i32
    %scan3A_6 = arith.constant 1 : i32
    scf.for %scan3A_22 = %scan3A_3 to %scan3A_5 step %scan3A_6  : i32 {
      %dma_start3A = arith.constant 0 : i32
      %dma_start3A_23 = tpu.memref_slice %arg6[%scan3A_22, %dma_start3A] : memref<80x128xi32, #tpu.memory_space<vmem>> -> memref<1x128xi32, #tpu.memory_space<vmem>>
      %dma_start3A_24 = tpu.memref_squeeze %dma_start3A_23 : memref<1x128xi32, #tpu.memory_space<vmem>> -> memref<128xi32, #tpu.memory_space<vmem>>
      %dma_start3A_25 = arith.constant 0 : i32
      %dma_start3A_26 = arith.constant 0 : i32
      %dma_start3A_27 = tpu.memref_slice %arg8[%dma_start3A_25, %dma_start3A_26] : memref<10112x128xf32, #tpu.memory_space<vmem_shared>> -> memref<10112x128xf32, #tpu.memory_space<vmem_shared>>
      tpu.enqueue_indirect_dma source(%arg7 : memref<128x128xf32, #tpu.memory_space<vmem>>) target(%dma_start3A_27 : memref<10112x128xf32, #tpu.memory_space<vmem_shared>>) offsets(%dma_start3A_24 : memref<128xi32, #tpu.memory_space<vmem>>) semaphore(%arg9 : memref<!tpu.dma_semaphore, #tpu.memory_space<semaphore_mem>>) {add = true}
    }
    %scan3A_7 = arith.constant 80 : i32
    %scan3A_8 = arith.constant 0 : i32
    %scan3A_9 = arith.constant 0 : i32
    %scan3A_10 = arith.constant 80 : i32
    %scan3A_11 = arith.addi %scan3A_9, %scan3A_10 : i32
    %scan3A_12 = arith.constant 1 : i32
    scf.for %scan3A_22 = %scan3A_9 to %scan3A_11 step %scan3A_12  : i32 {
      %dma_wait3A = arith.constant 0 : i32
      %dma_wait3A_23 = tpu.memref_slice %arg6[%scan3A_22, %dma_wait3A] : memref<80x128xi32, #tpu.memory_space<vmem>> -> memref<1x128xi32, #tpu.memory_space<vmem>>
      %dma_wait3A_24 = tpu.memref_squeeze %dma_wait3A_23 : memref<1x128xi32, #tpu.memory_space<vmem>> -> memref<128xi32, #tpu.memory_space<vmem>>
      %dma_wait3A_25 = arith.constant 0 : i32
      %dma_wait3A_26 = arith.constant 0 : i32
      %dma_wait3A_27 = tpu.memref_slice %arg8[%dma_wait3A_25, %dma_wait3A_26] : memref<10112x128xf32, #tpu.memory_space<vmem_shared>> -> memref<10112x128xf32, #tpu.memory_space<vmem_shared>>
      tpu.wait_indirect_dma semaphore(%arg9 : memref<!tpu.dma_semaphore, #tpu.memory_space<semaphore_mem>>) src(%arg7 : memref<128x128xf32, #tpu.memory_space<vmem>>) dst(%dma_wait3A_27 : memref<10112x128xf32, #tpu.memory_space<vmem_shared>>)
    }
    %scan3A_13 = arith.constant 80 : i32
    %barrier3A_14 = arith.constant 0 : index
    tpu.barrier barrier_id(%barrier3A_14)
    %mul3A_15 = arith.constant 632 : i32
    %mul3A_16 = arith.muli %arg1, %mul3A_15 : i32
    %mul3A_17 = arith.constant 10112 : i32
    %mul3A_18 = arith.muli %arg0, %mul3A_17 : i32
    %mul3A_19 = arith.constant 632 : i32
    %mul3A_20 = arith.muli %arg1, %mul3A_19 : i32
    %add3A_21 = arith.addi %mul3A_18, %mul3A_20 : i32
    "tpu.region"() ({
      %run_scoped3A = tpu.sem_alloc : memref<!tpu.dma_semaphore, #tpu.memory_space<semaphore_mem>>
      %dma_start3A = arith.constant 0 : i32
      %dma_start3A_22 = tpu.memref_slice %arg5[%add3A_21, %dma_start3A] : memref<20224x128xf32, #tpu.memory_space<hbm>> -> memref<632x128xf32, #tpu.memory_space<hbm>>
      %dma_start3A_23 = arith.constant 0 : i32
      %dma_start3A_24 = tpu.memref_slice %arg8[%mul3A_16, %dma_start3A_23] : memref<10112x128xf32, #tpu.memory_space<vmem_shared>> -> memref<632x128xf32, #tpu.memory_space<vmem_shared>>
      tpu.enqueue_dma source(%dma_start3A_24 : memref<632x128xf32, #tpu.memory_space<vmem_shared>>) target(%dma_start3A_22 : memref<632x128xf32, #tpu.memory_space<hbm>>) target_semaphore(%run_scoped3A : memref<!tpu.dma_semaphore, #tpu.memory_space<semaphore_mem>>)
      %dma_wait3A = arith.constant 0 : i32
      %dma_wait3A_25 = tpu.memref_slice %arg5[%add3A_21, %dma_wait3A] : memref<20224x128xf32, #tpu.memory_space<hbm>> -> memref<632x128xf32, #tpu.memory_space<hbm>>
      %dma_wait3A_26 = arith.constant 0 : i32
      %dma_wait3A_27 = tpu.memref_slice %arg8[%mul3A_16, %dma_wait3A_26] : memref<10112x128xf32, #tpu.memory_space<vmem_shared>> -> memref<632x128xf32, #tpu.memory_space<vmem_shared>>
      tpu.wait_dma2 semaphore(%run_scoped3A : memref<!tpu.dma_semaphore, #tpu.memory_space<semaphore_mem>>) src(%dma_wait3A_27 : memref<632x128xf32, #tpu.memory_space<vmem_shared>>) dst(%dma_wait3A_25 : memref<632x128xf32, #tpu.memory_space<hbm>>)
      tpu.yield
    }) : () -> ()
    return
  }
}

#map = affine_map<(d0, d1) -> (0, 0)>
module attributes {stable_mosaic.version = 14 : i64} {
  func.func @_agg_body(%arg0: i32, %arg1: i32, %arg2: memref<20224x128xf32, #tpu.memory_space<hbm>>, %arg3: memref<2560x128xi32, #tpu.memory_space<hbm>>, %arg4: memref<2560x128xi32, #tpu.memory_space<hbm>>, %arg5: memref<632x128xf32, #tpu.memory_space<hbm>>, %arg6: memref<20224x128xf32, #tpu.memory_space<hbm>>, %arg7: memref<16x128xi32, #tpu.memory_space<vmem>>, %arg8: memref<16x128xi32, #tpu.memory_space<vmem>>, %arg9: memref<2x128x128xf32, #tpu.memory_space<vmem>>, %arg10: memref<10112x128xf32, #tpu.memory_space<vmem_shared>>, %arg11: memref<2x!tpu.dma_semaphore, #tpu.memory_space<semaphore_mem>>, %arg12: memref<2x!tpu.dma_semaphore, #tpu.memory_space<semaphore_mem>>) attributes {dimension_semantics = [#tpu.dimension_semantics<core_parallel>, #tpu.dimension_semantics<subcore_parallel>], iteration_bounds = array<i64: 2, 16>, scalar_prefetch = 0 : i64, scratch_operands = 6 : i64, tpu.core_type = #tpu.core_type<sc_vector_subcore>, window_params = [{transform_indices = #map}, {transform_indices = #map}, {transform_indices = #map}, {transform_indices = #map}, {transform_indices = #map}]} {
    %mul3A = arith.constant 632 : i32
    %mul3A_0 = arith.muli %arg1, %mul3A : i32
    "tpu.region"() ({
      %run_scoped3A = tpu.sem_alloc : memref<!tpu.dma_semaphore, #tpu.memory_space<semaphore_mem>>
      %dma_start3A = arith.constant 0 : i32
      %dma_start3A_19 = tpu.memref_slice %arg10[%mul3A_0, %dma_start3A] : memref<10112x128xf32, #tpu.memory_space<vmem_shared>> -> memref<632x128xf32, #tpu.memory_space<vmem_shared>>
      tpu.enqueue_dma source(%arg5 : memref<632x128xf32, #tpu.memory_space<hbm>>) target(%dma_start3A_19 : memref<632x128xf32, #tpu.memory_space<vmem_shared>>) target_semaphore(%run_scoped3A : memref<!tpu.dma_semaphore, #tpu.memory_space<semaphore_mem>>)
      %dma_wait3A = arith.constant 0 : i32
      %dma_wait3A_20 = tpu.memref_slice %arg10[%mul3A_0, %dma_wait3A] : memref<10112x128xf32, #tpu.memory_space<vmem_shared>> -> memref<632x128xf32, #tpu.memory_space<vmem_shared>>
      tpu.wait_dma2 semaphore(%run_scoped3A : memref<!tpu.dma_semaphore, #tpu.memory_space<semaphore_mem>>) src(%arg5 : memref<632x128xf32, #tpu.memory_space<hbm>>) dst(%dma_wait3A_20 : memref<632x128xf32, #tpu.memory_space<vmem_shared>>)
      tpu.yield
    }) : () -> ()
    %eq3A = arith.constant 0 : i32
    %eq3A_1 = arith.cmpi eq, %arg0, %eq3A : i32
    %mul3A_2 = arith.constant 160 : i32
    %mul3A_3 = arith.muli %arg1, %mul3A_2 : i32
    %mul3A_4 = arith.constant 0 : i32
    %mul3A_5 = arith.muli %arg1, %mul3A_4 : i32
    %add3A = arith.constant 2560 : i32
    %add3A_6 = arith.addi %add3A, %mul3A_5 : i32
    %select_n3A = arith.select %eq3A_1, %mul3A_3, %add3A_6 : i32
    %eq3A_7 = arith.constant 0 : i32
    %eq3A_8 = arith.cmpi eq, %arg0, %eq3A_7 : i32
    %jit3A = arith.constant 10 : i32
    %jit3A_9 = arith.constant 0 : i32
    %select_n3A_10 = arith.select %eq3A_8, %jit3A, %jit3A_9 : i32
    %barrier3A = arith.constant 0 : index
    tpu.barrier barrier_id(%barrier3A)
    %barrier3A_11 = arith.constant 0 : index
    tpu.barrier barrier_id(%barrier3A_11)
    %mul3A_12 = arith.constant 632 : i32
    %mul3A_13 = arith.muli %arg1, %mul3A_12 : i32
    %mul3A_14 = arith.constant 10112 : i32
    %mul3A_15 = arith.muli %arg0, %mul3A_14 : i32
    %mul3A_16 = arith.constant 632 : i32
    %mul3A_17 = arith.muli %arg1, %mul3A_16 : i32
    %add3A_18 = arith.addi %mul3A_15, %mul3A_17 : i32
    "tpu.region"() ({
      %run_scoped3A = tpu.sem_alloc : memref<!tpu.dma_semaphore, #tpu.memory_space<semaphore_mem>>
      %dma_start3A = arith.constant 0 : i32
      %dma_start3A_19 = tpu.memref_slice %arg6[%add3A_18, %dma_start3A] : memref<20224x128xf32, #tpu.memory_space<hbm>> -> memref<632x128xf32, #tpu.memory_space<hbm>>
      %dma_start3A_20 = arith.constant 0 : i32
      %dma_start3A_21 = tpu.memref_slice %arg10[%mul3A_13, %dma_start3A_20] : memref<10112x128xf32, #tpu.memory_space<vmem_shared>> -> memref<632x128xf32, #tpu.memory_space<vmem_shared>>
      tpu.enqueue_dma source(%dma_start3A_21 : memref<632x128xf32, #tpu.memory_space<vmem_shared>>) target(%dma_start3A_19 : memref<632x128xf32, #tpu.memory_space<hbm>>) target_semaphore(%run_scoped3A : memref<!tpu.dma_semaphore, #tpu.memory_space<semaphore_mem>>)
      %dma_wait3A = arith.constant 0 : i32
      %dma_wait3A_22 = tpu.memref_slice %arg6[%add3A_18, %dma_wait3A] : memref<20224x128xf32, #tpu.memory_space<hbm>> -> memref<632x128xf32, #tpu.memory_space<hbm>>
      %dma_wait3A_23 = arith.constant 0 : i32
      %dma_wait3A_24 = tpu.memref_slice %arg10[%mul3A_13, %dma_wait3A_23] : memref<10112x128xf32, #tpu.memory_space<vmem_shared>> -> memref<632x128xf32, #tpu.memory_space<vmem_shared>>
      tpu.wait_dma2 semaphore(%run_scoped3A : memref<!tpu.dma_semaphore, #tpu.memory_space<semaphore_mem>>) src(%dma_wait3A_24 : memref<632x128xf32, #tpu.memory_space<vmem_shared>>) dst(%dma_wait3A_22 : memref<632x128xf32, #tpu.memory_space<hbm>>)
      tpu.yield
    }) : () -> ()
    return
  }
}

module attributes {stable_mosaic.version = 14 : i64} {
  func.func @_gw_body(%arg0: i32, %arg1: memref<400x128xf32, #tpu.memory_space<vmem>>, %arg2: memref<128x128xf32, #tpu.memory_space<vmem>>, %arg3: memref<2x400x16xf32, #tpu.memory_space<vmem>>, %arg4: memref<400x128xf32, #tpu.memory_space<vmem>>) attributes {dimension_semantics = [#tpu.dimension_semantics<arbitrary>], iteration_bounds = array<i64: 25>, scalar_prefetch = 0 : i64, scratch_operands = 0 : i64, tpu.core_type = #tpu.core_type<tc>, window_params = [{transform_indices = @transform_0, window_bounds = array<i64: 400, 128>}, {pipeline_mode = #tpu.pipeline_mode<synchronous>, transform_indices = @transform_1, window_bounds = array<i64: 128, 128>}, {transform_indices = @transform_2, window_bounds = array<i64: 2, 400, 16>}, {transform_indices = @transform_3, window_bounds = array<i64: 400, 128>}]} {
    %get3A = arith.constant 0 : index
    %get3A_0 = arith.constant 0 : index
    %get3A_1 = arith.constant 0 : index
    %get3A_2 = vector.load %arg3[%get3A, %get3A_0, %get3A_1] : memref<2x400x16xf32, #tpu.memory_space<vmem>>, vector<1x400x1xf32>
    %get3A_3 = vector.shape_cast %get3A_2 : vector<1x400x1xf32> to vector<400xf32>
    %get3A_4 = arith.constant 1 : index
    %get3A_5 = arith.constant 0 : index
    %get3A_6 = arith.constant 0 : index
    %get3A_7 = vector.load %arg3[%get3A_4, %get3A_5, %get3A_6] : memref<2x400x16xf32, #tpu.memory_space<vmem>>, vector<1x400x1xf32>
    %get3A_8 = vector.shape_cast %get3A_7 : vector<1x400x1xf32> to vector<400xf32>
    %add3A = arith.addf %get3A_3, %get3A_8 : vector<400xf32>
    %add3A_9 = arith.constant 1.000000e+00 : f32
    %add3A_10 = vector.broadcast %add3A_9 : f32 to vector<400xf32>
    %add3A_11 = arith.addf %add3A, %add3A_10 : vector<400xf32>
    %rsqrt3A = math.rsqrt %add3A_11 : vector<400xf32>
    %get3A_12 = arith.constant 0 : index
    %get3A_13 = arith.constant 0 : index
    %get3A_14 = vector.load %arg1[%get3A_12, %get3A_13] : memref<400x128xf32, #tpu.memory_space<vmem>>, vector<400x128xf32>
    %get3A_15 = arith.constant 0 : index
    %get3A_16 = arith.constant 0 : index
    %get3A_17 = vector.load %arg2[%get3A_15, %get3A_16] : memref<128x128xf32, #tpu.memory_space<vmem>>, vector<128x128xf32>
    %dot_general3A = arith.constant dense<0.000000e+00> : vector<400x128xf32>
    %dot_general3A_18 = tpu.matmul %get3A_14, %get3A_17, %dot_general3A {dimension_numbers = #tpu.dot_dimension_numbers<[1], [0], [0], [1], [0, 0, 1, 1], [], []>, transpose_lhs_hint = false} : vector<400x128xf32>, vector<128x128xf32>, vector<400x128xf32> -> vector<400x128xf32>
    %broadcast_in_dim3A = vector.shape_cast %rsqrt3A : vector<400xf32> to vector<400x1xf32>
    %mul3A = vector.broadcast %broadcast_in_dim3A : vector<400x1xf32> to vector<400x128xf32>
    %mul3A_19 = arith.mulf %dot_general3A_18, %mul3A : vector<400x128xf32>
    %swap3A = arith.constant 0 : index
    %swap3A_20 = arith.constant 0 : index
    %swap3A_21 = vector.load %arg4[%swap3A, %swap3A_20] : memref<400x128xf32, #tpu.memory_space<vmem>>, vector<400x128xf32>
    tpu.vector_store %arg4[%swap3A, %swap3A_20], %mul3A_19 {strides = array<i32>} : memref<400x128xf32, #tpu.memory_space<vmem>>, vector<400x128xf32>,
    return
  }
  func.func @transform_0(%arg0: i32) -> (i32, i32) {
    %c0_i32 = arith.constant 0 : i32
    %c0_i32_0 = arith.constant 0 : i32
    return %arg0, %c0_i32 : i32, i32
  }
  func.func @transform_1(%arg0: i32) -> (i32, i32) {
    %c0_i32 = arith.constant 0 : i32
    %c0_i32_0 = arith.constant 0 : i32
    %c0_i32_1 = arith.constant 0 : i32
    return %c0_i32, %c0_i32_0 : i32, i32
  }
  func.func @transform_2(%arg0: i32) -> (i32, i32, i32) {
    %c0_i32 = arith.constant 0 : i32
    %c0_i32_0 = arith.constant 0 : i32
    %c0_i32_1 = arith.constant 0 : i32
    return %c0_i32, %arg0, %c0_i32_0 : i32, i32, i32
  }
  func.func @transform_3(%arg0: i32) -> (i32, i32) {
    %c0_i32 = arith.constant 0 : i32
    %c0_i32_0 = arith.constant 0 : i32
    return %arg0, %c0_i32 : i32, i32
  }
}

module attributes {stable_mosaic.version = 14 : i64} {
  func.func @_fin_body(%arg0: i32, %arg1: memref<400x128xf32, #tpu.memory_space<vmem>>, %arg2: memref<400x128xf32, #tpu.memory_space<vmem>>, %arg3: memref<400x128xf32, #tpu.memory_space<vmem>>, %arg4: memref<2x400x16xf32, #tpu.memory_space<vmem>>, %arg5: memref<1x128xf32, #tpu.memory_space<vmem>>, %arg6: memref<400x128xf32, #tpu.memory_space<vmem>>) attributes {dimension_semantics = [#tpu.dimension_semantics<arbitrary>], iteration_bounds = array<i64: 25>, scalar_prefetch = 0 : i64, scratch_operands = 0 : i64, tpu.core_type = #tpu.core_type<tc>, window_params = [{transform_indices = @transform_0, window_bounds = array<i64: 400, 128>}, {transform_indices = @transform_1, window_bounds = array<i64: 400, 128>}, {transform_indices = @transform_2, window_bounds = array<i64: 400, 128>}, {transform_indices = @transform_3, window_bounds = array<i64: 2, 400, 16>}, {pipeline_mode = #tpu.pipeline_mode<synchronous>, transform_indices = @transform_4, window_bounds = array<i64: 1, 128>}, {transform_indices = @transform_5, window_bounds = array<i64: 400, 128>}]} {
    %get3A = arith.constant 0 : index
    %get3A_0 = arith.constant 0 : index
    %get3A_1 = arith.constant 0 : index
    %get3A_2 = vector.load %arg4[%get3A, %get3A_0, %get3A_1] : memref<2x400x16xf32, #tpu.memory_space<vmem>>, vector<1x400x1xf32>
    %get3A_3 = vector.shape_cast %get3A_2 : vector<1x400x1xf32> to vector<400xf32>
    %get3A_4 = arith.constant 1 : index
    %get3A_5 = arith.constant 0 : index
    %get3A_6 = arith.constant 0 : index
    %get3A_7 = vector.load %arg4[%get3A_4, %get3A_5, %get3A_6] : memref<2x400x16xf32, #tpu.memory_space<vmem>>, vector<1x400x1xf32>
    %get3A_8 = vector.shape_cast %get3A_7 : vector<1x400x1xf32> to vector<400xf32>
    %add3A = arith.addf %get3A_3, %get3A_8 : vector<400xf32>
    %add3A_9 = arith.constant 1.000000e+00 : f32
    %add3A_10 = vector.broadcast %add3A_9 : f32 to vector<400xf32>
    %add3A_11 = arith.addf %add3A, %add3A_10 : vector<400xf32>
    %rsqrt3A = math.rsqrt %add3A_11 : vector<400xf32>
    %get3A_12 = arith.constant 0 : index
    %get3A_13 = arith.constant 0 : index
    %get3A_14 = vector.load %arg1[%get3A_12, %get3A_13] : memref<400x128xf32, #tpu.memory_space<vmem>>, vector<400x128xf32>
    %get3A_15 = arith.constant 0 : index
    %get3A_16 = arith.constant 0 : index
    %get3A_17 = vector.load %arg2[%get3A_15, %get3A_16] : memref<400x128xf32, #tpu.memory_space<vmem>>, vector<400x128xf32>
    %add3A_18 = arith.addf %get3A_14, %get3A_17 : vector<400x128xf32>
    %get3A_19 = arith.constant 0 : index
    %get3A_20 = arith.constant 0 : index
    %get3A_21 = vector.load %arg3[%get3A_19, %get3A_20] : memref<400x128xf32, #tpu.memory_space<vmem>>, vector<400x128xf32>
    %add3A_22 = arith.addf %add3A_18, %get3A_21 : vector<400x128xf32>
    %broadcast_in_dim3A = vector.shape_cast %rsqrt3A : vector<400xf32> to vector<400x1xf32>
    %mul3A = vector.broadcast %broadcast_in_dim3A : vector<400x1xf32> to vector<400x128xf32>
    %mul3A_23 = arith.mulf %add3A_22, %mul3A : vector<400x128xf32>
    %get3A_24 = arith.constant 0 : index
    %get3A_25 = arith.constant 0 : index
    %get3A_26 = vector.load %arg5[%get3A_24, %get3A_25] : memref<1x128xf32, #tpu.memory_space<vmem>>, vector<1x128xf32>
    %add3A_27 = vector.broadcast %get3A_26 : vector<1x128xf32> to vector<400x128xf32>
    %add3A_28 = arith.addf %mul3A_23, %add3A_27 : vector<400x128xf32>
    %swap3A = arith.constant 0 : index
    %swap3A_29 = arith.constant 0 : index
    %swap3A_30 = vector.load %arg6[%swap3A, %swap3A_29] : memref<400x128xf32, #tpu.memory_space<vmem>>, vector<400x128xf32>
    tpu.vector_store %arg6[%swap3A, %swap3A_29], %add3A_28 {strides = array<i32>} : memref<400x128xf32, #tpu.memory_space<vmem>>, vector<400x128xf32>,
    return
  }
  func.func @transform_0(%arg0: i32) -> (i32, i32) {
    %c0_i32 = arith.constant 0 : i32
    %c0_i32_0 = arith.constant 0 : i32
    return %arg0, %c0_i32 : i32, i32
  }
  func.func @transform_1(%arg0: i32) -> (i32, i32) {
    %c0_i32 = arith.constant 0 : i32
    %c0_i32_0 = arith.constant 0 : i32
    return %arg0, %c0_i32 : i32, i32
  }
  func.func @transform_2(%arg0: i32) -> (i32, i32) {
    %c0_i32 = arith.constant 0 : i32
    %c0_i32_0 = arith.constant 0 : i32
    return %arg0, %c0_i32 : i32, i32
  }
  func.func @transform_3(%arg0: i32) -> (i32, i32, i32) {
    %c0_i32 = arith.constant 0 : i32
    %c0_i32_0 = arith.constant 0 : i32
    %c0_i32_1 = arith.constant 0 : i32
    return %c0_i32, %arg0, %c0_i32_0 : i32, i32, i32
  }
  func.func @transform_4(%arg0: i32) -> (i32, i32) {
    %c0_i32 = arith.constant 0 : i32
    %c0_i32_0 = arith.constant 0 : i32
    %c0_i32_1 = arith.constant 0 : i32
    return %c0_i32, %c0_i32_0 : i32, i32
  }
  func.func @transform_5(%arg0: i32) -> (i32, i32) {
    %c0_i32 = arith.constant 0 : i32
    %c0_i32_0 = arith.constant 0 : i32
    return %arg0, %c0_i32 : i32, i32
  }
}

</mosaic_0001>

<sc_bundles>
// kernel: kernel.6.cloned.1.call-start
scs
__scs_entry_jumppad:
0x0: {  	(pc) =	sbr.rel $0x88, $3  }
0x1: {  	(tag) =	ssettag $0x0;
	lr =	simm.s32 $0x1  }
0x2: {  	[smem:$0x3F9D] =	sst lr;
	_ =	strace $0xD0000000  }
0x3: {  	_ = 	snop  }
0x4: {  	_ = 	snop  }
0x5: {  	_ = 	snop  }
0x6: {  	_ = 	snop  }
0x7: {  	_ = 	snop  }
__scs_overlays_trampoline_lowered:
0x8: {  	[smem:$0x3FAC] =	sst s0  }
0x9: {  	[smem:$0x3FAD] =	sst s1  }
0xa: {  	[smem:$0x3FAE] =	sst s2  }
0xb: {  	[smem:$0x3FAF] =	sst s3  }
0xc: {  	[smem:$0x3FB0] =	sst s4  }
0xd: {  	[smem:$0x3FB1] =	sst s5  }
0xe: {  	[smem:$0x3FB2] =	sst s6  }
0xf: {  	[smem:$0x3FB3] =	sst s7  }
0x10: {  	[smem:$0x3FB4] =	sst s8  }
0x11: {  	[smem:$0x3FB5] =	sst s9;
	s0 =	simm.s32 @!p0 $0x0  }
0x12: {  	s1 =	sld [smem:$0x3F9B];
	s0 =	simm.s32 @p0 $0x1  }
0x13: {  	[smem:$0x3FB6] =	sst s0;
	s0 =	simm.s32 @!p1 $0x0  }
0x14: {  	s2 =	sld [smem:$0x3F9A];
	s0 =	simm.s32 @p1 $0x1  }
0x15: {  	[smem:$0x3FB7] =	sst s0;
	s0 =	simm.s32 @!p2 $0x0  }
0x16: {  	s3 =	sld [smem:$0x3FDB];
	s0 =	simm.s32 @p2 $0x1  }
0x17: {  	s4 =	simm.s32 $0x1BF5;
	[smem:$0x3FB9] =	sst s0  }
0x18: {  	s0 =	sld [smem:$0x3F9C];
	_ =	swait.ge [sflag:s4], $0x0  }
0x19: {  	s7 =	sld [smem:$0x3F9D]  }
0x1a: {  	s8 =	sadd.s32 $0xFFFFE003, lr  }
0x1b: {  	s9 =	sadd.s32 $0xFFFFFEF7, lr;
	s5 =	simm.s32 $0xFFFFFFFF;
	p2 =	slt.u32 s8, $0xFFFFF086  }
0x1c: {  	p1 =	slt.u32 s9, $0xF7A;
	s5 =	simm.s32 @!p2 $0x0  }
0x1d: {  	s5 =	simm.s32 @p1 $0x1;
	p0 =	seq.s32 s7, s2  }
0x1e: {  	s7 =	smul.u32 @!p0 $0xF7A, s2;
	p2 =	seq.s32 @!p0 s5, $0x0  }
0x1f: {  	s9 =	smul.u32 $0xF7A, s1;
	s8 =	simm.s32 @!p0 $0x1BF5;
	p2 =	por !p2, p0  }
0x20: {  	[sflag:s8] =	ssyncset.s32 @!p0 $0xFFFFF086;
	s6 =	sadd.s32 @!p0 s3, s7;
	s7 =	simm.s32 @!p0 $0x108  }
0x21: {  	s3 =	sadd.s32 s3, s9;
	s6 =	sadd.s32 @!p0 $0x88, s6;
	s7 =	simm.s32 @p2 $0x1082  }
0x22: {  	[simem:s7], [sflag:s8] =	dma.local @!p0 [hbm:s6], $0xF7A  }
0x23: {  	s9 =	sor.u32 $0xD0000000, s2;
	s6 =	simm.s32 $0x108;
	_ =	swait.ge @!p0 [sflag:s8], $0x0  }
0x24: {  	s3 =	sadd.s32 $0x88, s3;
	s6 =	simm.s32 @!p1 $0x1082;
	[sflag:s4] =	ssyncset.s32 $0xFFFFF086  }
0x25: {  	[simem:s6], [sflag:s4] =	dma.local [hbm:s3], $0xF7A  }
0x26: {  	[smem:$0x3F9D] =	sst s1;
	(tag) =	ssettag s2;
	_ =	strace s9  }
0x27: {  	s1 =	sld [smem:$0x3FAD]  }
0x28: {  	s2 =	sld [smem:$0x3FAE]  }
0x29: {  	s4 =	sld [smem:$0x3FB0]  }
0x2a: {  	p0 =	seq.s32 s5, $0x0;
	s5 =	sld [smem:$0x3FB1]  }
0x2b: {  	s6 =	sld [smem:$0x3FB2]  }
0x2c: {  	s7 =	sld [smem:$0x3FB3]  }
0x2d: {  	s3 =	simm.s32 $0x108;
	s8 =	sld [smem:$0x3FB4]  }
0x2e: {  	s3 =	simm.s32 @!p0 $0x1082;
	s9 =	sld [smem:$0x3FB5]  }
0x2f: {  	lr =	sadd.s32 s0, s3;
	s0 =	sld [smem:$0x3FAC]  }
0x30: {  	s3 =	sld [smem:$0x3FAF]  }
0x31: {  	[smem:$0x3FB8] =	sst s10  }
0x32: {  	s10 =	sld [smem:$0x3FB6];
	_ =	sdelay $0x3  }
0x33: {  	p0 =	seq.s32 s10, $0x1;
	s10 =	sld [smem:$0x3FB8];
	_ =	sdelay $0x3  }
0x34: {  	[smem:$0x3FB8] =	sst s10  }
0x35: {  	s10 =	sld [smem:$0x3FB7];
	_ =	sdelay $0x3  }
0x36: {  	p1 =	seq.s32 s10, $0x1;
	s10 =	sld [smem:$0x3FB8];
	_ =	sdelay $0x3  }
0x37: {  	[smem:$0x3FB8] =	sst s10  }
0x38: {  	s10 =	sld [smem:$0x3FB9]  }
0x39: {  	_ = 	snop;
	(pc) =	sbr.ind lr, $3  }
0x3a: {  	_ = 	snop  }
0x3b: {  	_ = 	snop  }
0x3c: {  	p2 =	seq.s32 s10, $0x1;
	s10 =	sld [smem:$0x3FB8]  }
0x3d: {  	_ =	shalt  }
0x3e: {  	_ =	shalt  }
0x3f: {  	_ =	shalt  }
0x40: {  	_ =	shalt  }
0x41: {  	_ =	shalt  }
0x42: {  	_ =	shalt  }
0x43: {  	_ =	shalt  }
0x44: {  	_ =	shalt  }
0x45: {  	_ =	shalt  }
0x46: {  	_ =	shalt  }
0x47: {  	_ =	shalt  }
0x48: {  	_ =	shalt  }
0x49: {  	_ =	shalt  }
0x4a: {  	_ =	shalt  }
0x4b: {  	_ =	shalt  }
0x4c: {  	_ =	shalt  }
0x4d: {  	_ =	shalt  }
0x4e: {  	_ =	shalt  }
0x4f: {  	_ =	shalt  }
0x50: {  	_ =	shalt  }
0x51: {  	_ =	shalt  }
0x52: {  	_ =	shalt  }
0x53: {  	_ =	shalt  }
0x54: {  	_ =	shalt  }
0x55: {  	_ =	shalt  }
0x56: {  	_ =	shalt  }
0x57: {  	_ =	shalt  }
0x58: {  	_ =	shalt  }
0x59: {  	_ =	shalt  }
0x5a: {  	_ =	shalt  }
0x5b: {  	_ =	shalt  }
0x5c: {  	_ =	shalt  }
0x5d: {  	_ =	shalt  }
0x5e: {  	_ =	shalt  }
0x5f: {  	_ =	shalt  }
0x60: {  	_ =	shalt  }
0x61: {  	_ =	shalt  }
0x62: {  	_ =	shalt  }
0x63: {  	_ =	shalt  }
0x64: {  	_ =	shalt  }
0x65: {  	_ =	shalt  }
0x66: {  	_ =	shalt  }
0x67: {  	_ =	shalt  }
0x68: {  	_ =	shalt  }
0x69: {  	_ =	shalt  }
0x6a: {  	_ =	shalt  }
0x6b: {  	_ =	shalt  }
0x6c: {  	_ =	shalt  }
0x6d: {  	_ =	shalt  }
0x6e: {  	_ =	shalt  }
0x6f: {  	_ =	shalt  }
0x70: {  	_ =	shalt  }
0x71: {  	_ =	shalt  }
0x72: {  	_ =	shalt  }
0x73: {  	_ =	shalt  }
0x74: {  	_ =	shalt  }
0x75: {  	_ =	shalt  }
0x76: {  	_ =	shalt  }
0x77: {  	_ =	shalt  }
0x78: {  	_ =	shalt  }
0x79: {  	_ =	shalt  }
0x7a: {  	_ =	shalt  }
0x7b: {  	_ =	shalt  }
0x7c: {  	_ =	shalt  }
0x7d: {  	_ =	shalt  }
0x7e: {  	_ =	shalt  }
0x7f: {  	_ =	shalt  }
0x80: {  	_ =	shalt  }
0x81: {  	_ =	shalt  }
0x82: {  	_ =	shalt  }
0x83: {  	_ =	shalt  }
0x84: {  	_ =	shalt  }
0x85: {  	_ =	shalt  }
0x86: {  	_ =	shalt  }
0x87: {  	_ =	shalt  }
.Lfunc_end0:
.L_simem_size_0:
called_computation_lowered:
.L_overlay_start_0:
0x88: {  	s2 =	sld [smem:$0x3FD9]  }
0x89: {  	s3 =	sld [smem:$0x3FFE];
	_ =	sdelay $0x1  }
0x8a: {  	s1 =	srdreg.scid  }
0x8b: {  	s0 =	sand.u32 $0x1, s1  }
0x8c: {  	s16 =	sshll.u32 s0, $0xA;
	s2 =	sadd.s32 s3, s2  }
0x8d: {  	s2 =	sadd.s32 s2, s16  }
0x8e: {  	[smem:$0x3FC4] =	sst s2  }
0x8f: {  	_ = 	snop  }
0x90: {  	(tm) =	ssettm $0x1  }
0x91: {  	s17 =	sld [smem:$0x3FFB];
	_ =	sdelay $0x3  }
0x92: {  	_ =	strace s17  }
0x93: {  	s2 =	sld [smem:$0x3FFC];
	_ =	sdelay $0x3  }
0x94: {  	_ =	strace s2  }
0x95: {  	s2 =	sld [smem:$0x3FFD];
	_ =	sdelay $0x3  }
0x96: {  	_ =	strace s2  }
0x97: {  	_ =	strace $0x8FFFFFFF  }
0x98: {  	s18 =	sld [smem:$0x3FDB];
	_ =	sdelay $0x1  }
0x99: {  	s19 =	simm.s32 $_scs_section_size  }
0x9a: {  	s4 =	simm.s32 $_size__tile_overlayer_lowered;
	s5 =	simm.s32 $_tile_overlayer_lowered  }
0x9b: {  	s22 =	simm.s32 $0x1BFF;
	s21 =	sshll.u32 s5, $0x1;
	s2 =	sadd.s32 s19, s18  }
0x9c: {  	s6 =	simm.s32 $0x0;
	s20 =	sshll.u32 s4, $0x1;
	s4 =	sadd.s32 s21, s2  }
0x9d: {  	[timem:s6], [sflag:s22] =	dma.local [hbm:s4], s20  }
0x9e: {  	_ =	swait.ge [sflag:s22], s20  }
0x9f: {  	s3 =	ssub.s32 $0x0, s20;
	[sflag:s22] =	ssyncset.done $0x0  }
0xa0: {  	[sflag:s22] =	ssyncadd.s32 s3;
	_ =	sdelay $0x1  }
0xa1: {  	s23 =	simm.s32 $0x1B8B  }
0xa2: {  	_ =	swait.ge [sflag:s23], $0x1  }
0xa3: {  	[sflag:s23] =	ssyncset.done $0x0  }
0xa4: {  	s25 =	simm.s32 $0x1B8E;
	s24 =	sld [smem:$0x3FFE];
	[sflag:s23] =	ssyncadd.s32 $0xFFFFFFFF  }
0xa5: {  	s26 =	simm.s32 $execute0_lowered;
	[smem:$0x3FD2] =	sst s25  }
0xa6: {  	s4 =	sshll.u32 s26, $0x1;
	_ =	strace $0x80000046;
	[dreg:$0x1] =	wrdreg $0xFFFFFFFF  }
0xa7: {  	s28 =	simm.s32 $_size_execute0_lowered;
	s2 =	sadd.s32 s2, s4;
	[dreg:$0x0] =	wrdreg $0x0  }
0xa8: {  	s4 =	sshll.u32 s28, $0x1;
	[dreg:$0x2] =	wrdreg s2  }
0xa9: {  	[dreg:$0x3] =	wrdreg s4  }
0xaa: {  	[dreg:$0x4] =	wrdreg $0xC0  }
0xab: {  	_ =	task [dreg:s6], $0x5FFFF  }
0xac: {  	[dreg:$0x1] =	wrdreg $0xFFFFFFFF  }
0xad: {  	[dreg:$0x0] =	wrdreg $0x60  }
0xae: {  	[dreg:$0x2] =	wrdreg s24  }
0xaf: {  	[dreg:$0x3] =	wrdreg $0x68000  }
0xb0: {  	[dreg:$0x4] =	wrdreg $0x9  }
0xb1: {  	_ =	task.clear_ibuf [dreg:s6], $0x5FFFF;
	_ =	strace $0x90000046  }
0xb2: {  	s29 =	simm.s32 $0x9;
	_ =	strace $0x80000048  }
0xb3: {  	_ =	swait.ge [sflag:s29], $0x1  }
0xb4: {  	[sflag:s29] =	ssyncadd.s32 $0xFFFFFFFF  }
0xb5: {  	_ =	strace $0x90000048  }
0xb6: {  	_ =	sfence  }
0xb7: {  	s30 =	sld [smem:$0x0];
	_ =	sdelay $0x2  }
0xb8: {  	s31 =	sshll.u32 s1, $0xD;
	s1 =	sshrl.u32 s1, $0x2  }
0xb9: {  	s3 =	sand.u32 $0x4000, s31;
	s1 =	sadd.s32 s1, s30  }
0xba: {  	s0 =	sor.u32 s3, s0;
	s1 =	sshll.u32 s1, $0x11  }
0xbb: {  	s0 =	sor.u32 s1, s0  }
0xbc: {  	s0 =	sadd.s32 $0x8F2B, s0  }
0xbd: {  	[sflag:s0] =	ssyncadd.remote.s32 $0x1  }
0xbe: {  	_ =	sfence.sel $0xFFFF  }
0xbf: {  	[dreg:$0x0] =	wrdreg $0xFFFFFFFF;
	(pc) =	sbr.abs _section_cstart, $3  }
0xc0: {  	[dreg:$0x1] =	wrdreg $0xFFFFFFFF  }
0xc1: {  	_ =	task.clear_ibuf [dreg:s6], $0x2FFFF;
	_ =	strace $0x9FFFFFFF  }
0xc2: {  	(tm) =	ssettm $0x7FFFFFFF  }
0xc3: {  	_ =	shalt  }
tec
execute0_lowered:
.L_overlay_start_1:
0x0: {  	(tag) =	ssettag $0x1  }
0x1: {  	s7 =	rddreg [dreg:$0x0]  }
0x2: {  	s0 =	srdreg.scid;
	s2 =	rddreg [dreg:$0x1]  }
0x3: {  	s3 =	simm.s32 $0x0;
	s6 =	sand.u32 $0x1, s0;
	s0 =	stileid.u32  }
0x4: {  	s13 =	simm.s32 $0x80;
	s14 =	simm.s32 $0x1;
	s5 =	smul.u32 $0x2780, s0  }
0x5: {  	s15 =	simm.s32 $0x0;
	[smem:$0x7FF] =	sst s3;
	s8 =	smul.u32 $0x27800, s6  }
0x6: {  	s1 =	sshll.u32 s6, $0x4;
	s10 =	smul.u32 $0x4F000, s0;
	s6 =	ssub.s32 $0x2, s6  }
0x7: {  	s11 =	sshll.u32 s0, $0x6;
	s1 =	sor.u32 s0, s1;
	s31 =	sshrl.u32 s6, $0x1  }
0x8: {  	s4 =	smul.u32 $0x500, s1;
	s1 =	rddreg [dreg:$0x2];
	_ =	strace $0x80000047  }
0x9: {  	s8 =	sadd.s32 s5, s8;
	s5 =	sadd.s32 $0xB400, s7;
	s10 =	sshrl.u32 s10, $0x2  }
0xa: {  	s12 =	ssub.s32 s6, s31;
	s6 =	sor.u32 $0x1C02, s11;
	s11 =	simm.s32 $0x2  }
0xb: {  	s8 =	sadd.s32 s8, s7;
	s10 =	sadd.s32 s10, s2;
	s9 =	sadd.s32 s4, s7  }
0xc: {  	s4 =	sadd.s32 $0xBC00, s7;
	s8 =	sadd.s32 $0xE400, s8;
	s10 =	sshrl.u32 s10, $0x3  }
0xd: {  	s7 =	sadd.s32 $0x1400, s9;
	s9 =	smax.u32 s12, $0x1;
	s12 =	simm.s32 $0x2800  }
.LBB2_1:
0xe: {  	[spmem:s10], [sflag:s6] =	dma.local [hbm:s4], $0x2780  }
0xf: {  	_ =	swait.ge [sflag:s11], $0x2780  }
0x10: {  	[sflag:s11] =	ssyncset.done $0x0  }
0x11: {  	[sflag:s11] =	ssyncadd.s32 $0xFFFFD880  }
0x12: {  	[tilespmem:s12], [sflag:$0x2] =	stream.linear.gather [hbm4b:s5+s3], $0x4000, $0x38;
	[tilespmem:$0x1A400] =	vst v63  }
0x13: {  	_ =	swait.ge [sflag:s11], $0x4000  }
0x14: {  	[sflag:s11] =	ssyncset.done $0x0  }
0x15: {  	[sflag:s11] =	ssyncadd.s32 $0xFFFFC000  }
0x16: {  	[tilespmem:s3], [sflag:$0x2] =	stream.linear.gather [hbm4b:s7+s3], $0x2800, $0x38;
	[tilespmem:$0x1A400] =	vst v63  }
0x17: {  	_ =	swait.ge [sflag:s11], $0x2800  }
0x18: {  	[sflag:s11] =	ssyncset.done $0x0  }
0x19: {  	[sflag:s11] =	ssyncadd.s32 $0xFFFFD800  }
0x1a: {  	s16 =	simm.s32 $0x0;
	[bflag:$0x0] =	sbarrier.arrive $0xFFFF  }
.LBB2_2:
0x1b: {  	p0 =	sne.s32 s16, $0x9E00  }
.Ltmp0:
0x1c: {  	_ = 	snop;
	(pc) =	sbr.rel @p0 .LBB2_2-.Ltmp0, $3  }
0x1d: {  	_ =	sdelay $0x1  }
0x1e: {  	s17 =	sshra.s32 s16, $0x2;
	s16 =	sadd.s32 $0x200, s16  }
0x1f: {  	[spmem:s2] =	stream.indirect.scatter.add.f32 [tilespmem:s12], [sflag:$0x1], $0x80, s17, s13, $0xb8;
	[tilespmem:$0x1A400] =	vst v63  }
0x20: {  	_ =	swait.ge [sflag:s14], $0x4000  }
0x21: {  	s16 =	simm.s32 $0x4F;
	[sflag:s14] =	ssyncset.done $0x0  }
.LBB2_4:
0x22: {  	p0 =	sne.s32 s16, $0x1;
	s16 =	sadd.s32 $0xFFFFFFFF, s16;
	[sflag:s14] =	ssyncadd.s32 $0xFFFFC000  }
.Ltmp1:
0x23: {  	(pc) =	sbr.rel @p0 .LBB2_4-.Ltmp1, $3  }
0x24: {  	_ =	sdelay $0x1  }
0x25: {  	_ =	swait.ge [sflag:s14], $0x4000  }
0x26: {  	[sflag:s14] =	ssyncset.done $0x0  }
0x27: {  	s15 =	sadd.s32 $0x1, s15  }
0x28: {  	[sflag:s14] =	ssyncadd.s32 $0xFFFFC000;
	p0 =	sne.s32 s15, s9  }
.Ltmp2:
0x29: {  	[bflag:$0x0] =	sbarrier.arrive $0xFFFF;
	(pc) =	sbr.rel @p0 .LBB2_1-.Ltmp2, $4  }
0x2a: {  	[hbm:s8], [sflag:s6] =	dma.local [spmem:s10], $0x2780  }
0x2b: {  	_ =	swait.ge [sflag:s11], $0x2780  }
0x2c: {  	[sflag:s11] =	ssyncset.done $0x0  }
0x2d: {  	[sflag:s11] =	ssyncadd.s32 $0xFFFFD880  }
0x2e: {  	_ =	sfence.sel $0x180000  }
0x2f: {  	[bflag:$0x0] =	sbarrier.arrive $0xFFFF  }
0x30: {  	p0 =	sne.s32 s0, $0x0;
	_ =	strace $0x90000047  }
0x31: {  	s0 =	sadd.s32 @!p0 $0x100000, s1;
	[bflag:$0x2] =	sbarrier.arrive $0xFFFF  }
0x32: {  	[sflag:s0] =	ssyncadd.tile.s32 @!p0 $0x1;
	_ =	shalt  }
.Lfunc_end2:
_tile_overlayer_lowered:
.L_overlay_start_2:
0x33: {  	(tag) =	ssettag $0x2  }
0x34: {  	s0 =	rddreg [dreg:$0x0];
	s2 =	stileid.u32  }
0x35: {  	s1 =	rddreg [dreg:$0x1];
	p0 =	sne.s32 s2, $0x0  }
0x36: {  	s3 =	rddreg [dreg:$0x2];
	[bflag:$0x3] =	sbarrier.arrive $0xFFFF;
	s2 =	simm.s32 @!p0 $0x1C02  }
0x37: {  	[timem:s3], [sflag:s2] =	dma.local @!p0 [hbm:s0], s1  }
0x38: {  	s0 =	simm.s32 @!p0 $0x2  }
0x39: {  	_ =	swait.ge @!p0 [sflag:s0], s1  }
0x3a: {  	s1 =	ssub.s32 @!p0 $0x0, s1;
	[sflag:s0] =	ssyncset.done @!p0 $0x0  }
0x3b: {  	[sflag:s0] =	ssyncadd.s32 @!p0 s1  }
0x3c: {  	[bflag:$0x3] =	sbarrier.arrive $0xFFFF  }
0x3d: {  	_ =	shalt  }

// kernel: kernel.9.cloned.1.call-start
scs
__scs_entry_jumppad:
0x0: {  	(pc) =	sbr.rel $0x88, $3  }
0x1: {  	(tag) =	ssettag $0x0;
	lr =	simm.s32 $0x1  }
0x2: {  	[smem:$0x3F9D] =	sst lr;
	_ =	strace $0xD0000000  }
0x3: {  	_ = 	snop  }
0x4: {  	_ = 	snop  }
0x5: {  	_ = 	snop  }
0x6: {  	_ = 	snop  }
0x7: {  	_ = 	snop  }
__scs_overlays_trampoline_lowered:
0x8: {  	[smem:$0x3FAC] =	sst s0  }
0x9: {  	[smem:$0x3FAD] =	sst s1  }
0xa: {  	[smem:$0x3FAE] =	sst s2  }
0xb: {  	[smem:$0x3FAF] =	sst s3  }
0xc: {  	[smem:$0x3FB0] =	sst s4  }
0xd: {  	[smem:$0x3FB1] =	sst s5  }
0xe: {  	[smem:$0x3FB2] =	sst s6  }
0xf: {  	[smem:$0x3FB3] =	sst s7  }
0x10: {  	[smem:$0x3FB4] =	sst s8  }
0x11: {  	[smem:$0x3FB5] =	sst s9;
	s0 =	simm.s32 @!p0 $0x0  }
0x12: {  	s1 =	sld [smem:$0x3F9B];
	s0 =	simm.s32 @p0 $0x1  }
0x13: {  	[smem:$0x3FB6] =	sst s0;
	s0 =	simm.s32 @!p1 $0x0  }
0x14: {  	s2 =	sld [smem:$0x3F9A];
	s0 =	simm.s32 @p1 $0x1  }
0x15: {  	[smem:$0x3FB7] =	sst s0;
	s0 =	simm.s32 @!p2 $0x0  }
0x16: {  	s3 =	sld [smem:$0x3FDB];
	s0 =	simm.s32 @p2 $0x1  }
0x17: {  	s4 =	simm.s32 $0x1BF5;
	[smem:$0x3FB9] =	sst s0  }
0x18: {  	s0 =	sld [smem:$0x3F9C];
	_ =	swait.ge [sflag:s4], $0x0  }
0x19: {  	s7 =	sld [smem:$0x3F9D]  }
0x1a: {  	s8 =	sadd.s32 $0xFFFFE003, lr  }
0x1b: {  	s9 =	sadd.s32 $0xFFFFFEF7, lr;
	s5 =	simm.s32 $0xFFFFFFFF;
	p2 =	slt.u32 s8, $0xFFFFF086  }
0x1c: {  	p1 =	slt.u32 s9, $0xF7A;
	s5 =	simm.s32 @!p2 $0x0  }
0x1d: {  	s5 =	simm.s32 @p1 $0x1;
	p0 =	seq.s32 s7, s2  }
0x1e: {  	s7 =	smul.u32 @!p0 $0xF7A, s2;
	p2 =	seq.s32 @!p0 s5, $0x0  }
0x1f: {  	s9 =	smul.u32 $0xF7A, s1;
	s8 =	simm.s32 @!p0 $0x1BF5;
	p2 =	por !p2, p0  }
0x20: {  	[sflag:s8] =	ssyncset.s32 @!p0 $0xFFFFF086;
	s6 =	sadd.s32 @!p0 s3, s7;
	s7 =	simm.s32 @!p0 $0x108  }
0x21: {  	s3 =	sadd.s32 s3, s9;
	s6 =	sadd.s32 @!p0 $0x88, s6;
	s7 =	simm.s32 @p2 $0x1082  }
0x22: {  	[simem:s7], [sflag:s8] =	dma.local @!p0 [hbm:s6], $0xF7A  }
0x23: {  	s9 =	sor.u32 $0xD0000000, s2;
	s6 =	simm.s32 $0x108;
	_ =	swait.ge @!p0 [sflag:s8], $0x0  }
0x24: {  	s3 =	sadd.s32 $0x88, s3;
	s6 =	simm.s32 @!p1 $0x1082;
	[sflag:s4] =	ssyncset.s32 $0xFFFFF086  }
0x25: {  	[simem:s6], [sflag:s4] =	dma.local [hbm:s3], $0xF7A  }
0x26: {  	[smem:$0x3F9D] =	sst s1;
	(tag) =	ssettag s2;
	_ =	strace s9  }
0x27: {  	s1 =	sld [smem:$0x3FAD]  }
0x28: {  	s2 =	sld [smem:$0x3FAE]  }
0x29: {  	s4 =	sld [smem:$0x3FB0]  }
0x2a: {  	p0 =	seq.s32 s5, $0x0;
	s5 =	sld [smem:$0x3FB1]  }
0x2b: {  	s6 =	sld [smem:$0x3FB2]  }
0x2c: {  	s7 =	sld [smem:$0x3FB3]  }
0x2d: {  	s3 =	simm.s32 $0x108;
	s8 =	sld [smem:$0x3FB4]  }
0x2e: {  	s3 =	simm.s32 @!p0 $0x1082;
	s9 =	sld [smem:$0x3FB5]  }
0x2f: {  	lr =	sadd.s32 s0, s3;
	s0 =	sld [smem:$0x3FAC]  }
0x30: {  	s3 =	sld [smem:$0x3FAF]  }
0x31: {  	[smem:$0x3FB8] =	sst s10  }
0x32: {  	s10 =	sld [smem:$0x3FB6];
	_ =	sdelay $0x3  }
0x33: {  	p0 =	seq.s32 s10, $0x1;
	s10 =	sld [smem:$0x3FB8];
	_ =	sdelay $0x3  }
0x34: {  	[smem:$0x3FB8] =	sst s10  }
0x35: {  	s10 =	sld [smem:$0x3FB7];
	_ =	sdelay $0x3  }
0x36: {  	p1 =	seq.s32 s10, $0x1;
	s10 =	sld [smem:$0x3FB8];
	_ =	sdelay $0x3  }
0x37: {  	[smem:$0x3FB8] =	sst s10  }
0x38: {  	s10 =	sld [smem:$0x3FB9]  }
0x39: {  	_ = 	snop;
	(pc) =	sbr.ind lr, $3  }
0x3a: {  	_ = 	snop  }
0x3b: {  	_ = 	snop  }
0x3c: {  	p2 =	seq.s32 s10, $0x1;
	s10 =	sld [smem:$0x3FB8]  }
0x3d: {  	_ =	shalt  }
0x3e: {  	_ =	shalt  }
0x3f: {  	_ =	shalt  }
0x40: {  	_ =	shalt  }
0x41: {  	_ =	shalt  }
0x42: {  	_ =	shalt  }
0x43: {  	_ =	shalt  }
0x44: {  	_ =	shalt  }
0x45: {  	_ =	shalt  }
0x46: {  	_ =	shalt  }
0x47: {  	_ =	shalt  }
0x48: {  	_ =	shalt  }
0x49: {  	_ =	shalt  }
0x4a: {  	_ =	shalt  }
0x4b: {  	_ =	shalt  }
0x4c: {  	_ =	shalt  }
0x4d: {  	_ =	shalt  }
0x4e: {  	_ =	shalt  }
0x4f: {  	_ =	shalt  }
0x50: {  	_ =	shalt  }
0x51: {  	_ =	shalt  }
0x52: {  	_ =	shalt  }
0x53: {  	_ =	shalt  }
0x54: {  	_ =	shalt  }
0x55: {  	_ =	shalt  }
0x56: {  	_ =	shalt  }
0x57: {  	_ =	shalt  }
0x58: {  	_ =	shalt  }
0x59: {  	_ =	shalt  }
0x5a: {  	_ =	shalt  }
0x5b: {  	_ =	shalt  }
0x5c: {  	_ =	shalt  }
0x5d: {  	_ =	shalt  }
0x5e: {  	_ =	shalt  }
0x5f: {  	_ =	shalt  }
0x60: {  	_ =	shalt  }
0x61: {  	_ =	shalt  }
0x62: {  	_ =	shalt  }
0x63: {  	_ =	shalt  }
0x64: {  	_ =	shalt  }
0x65: {  	_ =	shalt  }
0x66: {  	_ =	shalt  }
0x67: {  	_ =	shalt  }
0x68: {  	_ =	shalt  }
0x69: {  	_ =	shalt  }
0x6a: {  	_ =	shalt  }
0x6b: {  	_ =	shalt  }
0x6c: {  	_ =	shalt  }
0x6d: {  	_ =	shalt  }
0x6e: {  	_ =	shalt  }
0x6f: {  	_ =	shalt  }
0x70: {  	_ =	shalt  }
0x71: {  	_ =	shalt  }
0x72: {  	_ =	shalt  }
0x73: {  	_ =	shalt  }
0x74: {  	_ =	shalt  }
0x75: {  	_ =	shalt  }
0x76: {  	_ =	shalt  }
0x77: {  	_ =	shalt  }
0x78: {  	_ =	shalt  }
0x79: {  	_ =	shalt  }
0x7a: {  	_ =	shalt  }
0x7b: {  	_ =	shalt  }
0x7c: {  	_ =	shalt  }
0x7d: {  	_ =	shalt  }
0x7e: {  	_ =	shalt  }
0x7f: {  	_ =	shalt  }
0x80: {  	_ =	shalt  }
0x81: {  	_ =	shalt  }
0x82: {  	_ =	shalt  }
0x83: {  	_ =	shalt  }
0x84: {  	_ =	shalt  }
0x85: {  	_ =	shalt  }
0x86: {  	_ =	shalt  }
0x87: {  	_ =	shalt  }
.Lfunc_end0:
.L_simem_size_0:
called_computation.1_lowered:
.L_overlay_start_0:
0x88: {  	s2 =	sld [smem:$0x3FD9]  }
0x89: {  	s3 =	sld [smem:$0x3FFE];
	_ =	sdelay $0x1  }
0x8a: {  	s1 =	srdreg.scid  }
0x8b: {  	s0 =	sand.u32 $0x1, s1  }
0x8c: {  	s16 =	sshll.u32 s0, $0xA;
	s2 =	sadd.s32 s3, s2  }
0x8d: {  	s2 =	sadd.s32 s2, s16  }
0x8e: {  	[smem:$0x3FC4] =	sst s2  }
0x8f: {  	_ = 	snop  }
0x90: {  	(tm) =	ssettm $0x1  }
0x91: {  	s17 =	sld [smem:$0x3FFB];
	_ =	sdelay $0x3  }
0x92: {  	_ =	strace s17  }
0x93: {  	s2 =	sld [smem:$0x3FFC];
	_ =	sdelay $0x3  }
0x94: {  	_ =	strace s2  }
0x95: {  	s2 =	sld [smem:$0x3FFD];
	_ =	sdelay $0x3  }
0x96: {  	_ =	strace s2  }
0x97: {  	_ =	strace $0x8FFFFFFF  }
0x98: {  	s18 =	sld [smem:$0x3FDB];
	_ =	sdelay $0x1  }
0x99: {  	s19 =	simm.s32 $_scs_section_size  }
0x9a: {  	s4 =	simm.s32 $_size__tile_overlayer_lowered;
	s5 =	simm.s32 $_tile_overlayer_lowered  }
0x9b: {  	s22 =	simm.s32 $0x1BFF;
	s21 =	sshll.u32 s5, $0x1;
	s2 =	sadd.s32 s19, s18  }
0x9c: {  	s6 =	simm.s32 $0x0;
	s20 =	sshll.u32 s4, $0x1;
	s4 =	sadd.s32 s21, s2  }
0x9d: {  	[timem:s6], [sflag:s22] =	dma.local [hbm:s4], s20  }
0x9e: {  	_ =	swait.ge [sflag:s22], s20  }
0x9f: {  	s3 =	ssub.s32 $0x0, s20;
	[sflag:s22] =	ssyncset.done $0x0  }
0xa0: {  	[sflag:s22] =	ssyncadd.s32 s3;
	_ =	sdelay $0x1  }
0xa1: {  	s23 =	simm.s32 $0x1B8B  }
0xa2: {  	_ =	swait.ge [sflag:s23], $0x1  }
0xa3: {  	[sflag:s23] =	ssyncset.done $0x0  }
0xa4: {  	s25 =	simm.s32 $0x1B8E;
	s24 =	sld [smem:$0x3FFE];
	[sflag:s23] =	ssyncadd.s32 $0xFFFFFFFF  }
0xa5: {  	s26 =	simm.s32 $execute0_lowered;
	[smem:$0x3FD2] =	sst s25  }
0xa6: {  	s4 =	sshll.u32 s26, $0x1;
	_ =	strace $0x80000049;
	[dreg:$0x1] =	wrdreg $0xFFFFFFFF  }
0xa7: {  	s28 =	simm.s32 $_size_execute0_lowered;
	s2 =	sadd.s32 s2, s4;
	[dreg:$0x0] =	wrdreg $0x0  }
0xa8: {  	s4 =	sshll.u32 s28, $0x1;
	[dreg:$0x2] =	wrdreg s2  }
0xa9: {  	[dreg:$0x3] =	wrdreg s4  }
0xaa: {  	[dreg:$0x4] =	wrdreg $0xC0  }
0xab: {  	_ =	task [dreg:s6], $0x5FFFF  }
0xac: {  	[dreg:$0x1] =	wrdreg $0xFFFFFFFF  }
0xad: {  	[dreg:$0x0] =	wrdreg $0x60  }
0xae: {  	[dreg:$0x2] =	wrdreg s24  }
0xaf: {  	[dreg:$0x3] =	wrdreg $0x0  }
0xb0: {  	[dreg:$0x4] =	wrdreg $0x9  }
0xb1: {  	_ =	task.clear_ibuf [dreg:s6], $0x5FFFF;
	_ =	strace $0x90000049  }
0xb2: {  	s29 =	simm.s32 $0x9;
	_ =	strace $0x8000004B  }
0xb3: {  	_ =	swait.ge [sflag:s29], $0x1  }
0xb4: {  	[sflag:s29] =	ssyncadd.s32 $0xFFFFFFFF  }
0xb5: {  	_ =	strace $0x9000004B  }
0xb6: {  	_ =	sfence  }
0xb7: {  	s30 =	sld [smem:$0x0];
	_ =	sdelay $0x2  }
0xb8: {  	s31 =	sshll.u32 s1, $0xD;
	s1 =	sshrl.u32 s1, $0x2  }
0xb9: {  	s3 =	sand.u32 $0x4000, s31;
	s1 =	sadd.s32 s1, s30  }
0xba: {  	s0 =	sor.u32 s3, s0;
	s1 =	sshll.u32 s1, $0x11  }
0xbb: {  	s0 =	sor.u32 s1, s0  }
0xbc: {  	s0 =	sadd.s32 $0x8F2B, s0  }
0xbd: {  	[sflag:s0] =	ssyncadd.remote.s32 $0x1  }
0xbe: {  	_ =	sfence.sel $0xFFFF  }
0xbf: {  	[dreg:$0x0] =	wrdreg $0xFFFFFFFF;
	(pc) =	sbr.abs _section_cstart, $3  }
0xc0: {  	[dreg:$0x1] =	wrdreg $0xFFFFFFFF  }
0xc1: {  	_ =	task.clear_ibuf [dreg:s6], $0x2FFFF;
	_ =	strace $0x9FFFFFFF  }
0xc2: {  	(tm) =	ssettm $0x7FFFFFFF  }
0xc3: {  	_ =	shalt  }
tec
execute0_lowered:
.L_overlay_start_1:
0x0: {  	(tag) =	ssettag $0x1  }
0x1: {  	s6 =	rddreg [dreg:$0x0]  }
0x2: {  	s3 =	rddreg [dreg:$0x1]  }
0x3: {  	s0 =	rddreg [dreg:$0x2]  }
0x4: {  	s2 =	simm.s32 $0x0;
	s1 =	stileid.u32;
	s5 =	srdreg.scid  }
0x5: {  	[smem:$0x7FF] =	sst s2;
	s4 =	smul.u32 $0x4F000, s1  }
0x6: {  	s2 =	sadd.s32 $0xBC00, s6;
	s7 =	sand.u32 $0x1, s5;
	s30 =	sshll.u32 s1, $0x6  }
0x7: {  	s8 =	smul.u32 $0x27800, s7;
	s7 =	ssub.s32 $0x2, s7;
	s4 =	sshrl.u32 s4, $0x2  }
0x8: {  	_ =	strace $0x8000004A;
	s31 =	sshrl.u32 s7, $0x1;
	s4 =	sadd.s32 s4, s3  }
0x9: {  	s3 =	sor.u32 $0x1C01, s30;
	s5 =	sshrl.u32 s4, $0x3;
	s4 =	simm.s32 $0x1  }
0xa: {  	[spmem:s5], [sflag:s3] =	dma.local [hbm:s2], $0x2780  }
0xb: {  	s9 =	smul.u32 $0x2780, s1;
	s7 =	ssub.s32 s7, s31;
	_ =	swait.ge [sflag:s4], $0x2780  }
0xc: {  	s7 =	smax.u32 s7, $0x1;
	[sflag:s4] =	ssyncset.done $0x0  }
0xd: {  	s8 =	sadd.s32 s9, s8;
	p0 =	sne.s32 s7, $0x1;
	[sflag:s4] =	ssyncadd.s32 $0xFFFFD880  }
.Ltmp0:
0xe: {  	s6 =	sadd.s32 s8, s6;
	[bflag:$0x0] =	sbarrier.arrive $0xFFFF;
	(pc) =	sbr.rel @!p0 .LBB2_2-.Ltmp0, $4  }
0xf: {  	s6 =	sadd.s32 $0xB6400, s6;
	[bflag:$0x0] =	sbarrier.arrive $0xFFFF  }
0x10: {  	[hbm:s6], [sflag:s3] =	dma.local [spmem:s5], $0x2780  }
0x11: {  	_ =	swait.ge [sflag:s4], $0x2780  }
0x12: {  	s7 =	sadd.s32 $0xFFFFFFFF, s7;
	[sflag:s4] =	ssyncset.done $0x0  }
.LBB2_1:
0x13: {  	p0 =	sne.s32 s7, $0x1;
	s7 =	sadd.s32 $0xFFFFFFFF, s7;
	[sflag:s4] =	ssyncadd.s32 $0xFFFFD880  }
0x14: {  	[spmem:s5], [sflag:s3] =	dma.local [hbm:s2], $0x2780  }
0x15: {  	_ =	swait.ge [sflag:s4], $0x2780  }
0x16: {  	[sflag:s4] =	ssyncset.done $0x0  }
0x17: {  	[sflag:s4] =	ssyncadd.s32 $0xFFFFD880  }
.Ltmp1:
0x18: {  	[bflag:$0x0] =	sbarrier.arrive $0xFFFF;
	(pc) =	sbr.rel @p0 .LBB2_1-.Ltmp1, $4  }
0x19: {  	[bflag:$0x0] =	sbarrier.arrive $0xFFFF  }
0x1a: {  	[hbm:s6], [sflag:s3] =	dma.local [spmem:s5], $0x2780  }
0x1b: {  	_ =	swait.ge [sflag:s4], $0x2780  }
0x1c: {  	[sflag:s4] =	ssyncset.done $0x0  }
.LBB2_2:
0x1d: {  	[sflag:s4] =	ssyncadd.s32 $0xFFFFD880  }
0x1e: {  	_ =	sfence.sel $0x180000  }
0x1f: {  	[bflag:$0x0] =	sbarrier.arrive $0xFFFF  }
0x20: {  	p0 =	sne.s32 s1, $0x0;
	_ =	strace $0x9000004A  }
0x21: {  	s0 =	sadd.s32 @!p0 $0x100000, s0;
	[bflag:$0x2] =	sbarrier.arrive $0xFFFF  }
0x22: {  	[sflag:s0] =	ssyncadd.tile.s32 @!p0 $0x1;
	_ =	shalt  }
.Lfunc_end2:
_tile_overlayer_lowered:
.L_overlay_start_2:
0x23: {  	(tag) =	ssettag $0x2  }
0x24: {  	s0 =	rddreg [dreg:$0x0];
	s2 =	stileid.u32  }
0x25: {  	s1 =	rddreg [dreg:$0x1];
	p0 =	sne.s32 s2, $0x0  }
0x26: {  	s3 =	rddreg [dreg:$0x2];
	[bflag:$0x3] =	sbarrier.arrive $0xFFFF;
	s2 =	simm.s32 @!p0 $0x1C01  }
0x27: {  	[timem:s3], [sflag:s2] =	dma.local @!p0 [hbm:s0], s1  }
0x28: {  	s0 =	simm.s32 @!p0 $0x1  }
0x29: {  	_ =	swait.ge @!p0 [sflag:s0], s1  }
0x2a: {  	s1 =	ssub.s32 @!p0 $0x0, s1;
	[sflag:s0] =	ssyncset.done @!p0 $0x0  }
0x2b: {  	[sflag:s0] =	ssyncadd.s32 @!p0 s1  }
0x2c: {  	[bflag:$0x3] =	sbarrier.arrive $0xFFFF  }
0x2d: {  	_ =	shalt  }

</sc_bundles>
